<compile_context>
chip_gen: v7x
topology: tpu7x:2x2x1
jax: 0.10.2.dev20260603
libtpu: 0.0.44.dev20260713+nightly
codegen_flags: <defaults>
</compile_context>

<pallas_src>
import jax
import jax.numpy as jnp
from jax import lax
from jax.experimental import pallas as pl
from jax.experimental.pallas import tpu as pltpu
from jax.experimental.pallas import tpu_sc as plsc

_B = 4096
_L = 200
_D = 64
_N = _B * _L
_NC = 2
_NS = 16
_NW = _NC * _NS
_PER_W = _N // _NW
_CHUNK = 128
_NCH = _PER_W // _CHUNK
_NBUF = 4
_K = 2


def _gather_body(idx_h, table_h, out_h, idx_v, rows, gsems, wsems):
    wid = lax.axis_index("s") * _NC + lax.axis_index("c")
    base = wid * _PER_W
    pltpu.sync_copy(idx_h.at[wid], idx_v)
    for b in range(_K):
        pltpu.async_copy(table_h.at[idx_v.at[b]], rows[b], gsems[b])

    def body(i, _):
        for b in range(_NBUF):
            g = i * _NBUF + b
            pltpu.make_async_copy(table_h.at[idx_v.at[0]], rows[b],
                                  gsems[b]).wait()
            pltpu.async_copy(rows[b],
                             out_h.at[pl.ds(base + g * _CHUNK, _CHUNK), :],
                             wsems[b])
            gp = g + _K
            bp = (b + _K) % _NBUF

            @pl.when(gp >= _NBUF)
            def _():
                pltpu.make_async_copy(
                    rows[bp], out_h.at[pl.ds(base, _CHUNK), :],
                    wsems[bp]).wait()

            @pl.when(gp < _NCH)
            def _():
                pltpu.async_copy(table_h.at[idx_v.at[gp]], rows[bp], gsems[bp])
        return ()

    lax.fori_loop(0, _NCH // _NBUF, body, (), unroll=False)
    for b in range(_NBUF - _K, _NBUF):
        pltpu.make_async_copy(rows[b], out_h.at[pl.ds(base, _CHUNK), :],
                              wsems[b]).wait()


def _gather_entry(idx_h, table_h, out_h, idx_v,
                  r0, r1, r2, r3, g0, g1, g2, g3, w0, w1, w2, w3):
    _gather_body(idx_h, table_h, out_h, idx_v,
                 (r0, r1, r2, r3), (g0, g1, g2, g3), (w0, w1, w2, w3))


def _mm_body(c_ref, w_ref, o_ref):
    o_ref[...] = lax.dot_general(
        c_ref[...], w_ref[...], (((1,), (1,)), ((), ())),
        preferred_element_type=jnp.float32)


def kernel(x, condition, table, W_cond):
    idx = x.reshape(_NW, _NCH, _CHUNK).astype(jnp.int32)
    tpad = jnp.pad(table, ((0, 0), (0, 128 - _D)))

    gather = pl.kernel(
        _gather_entry,
        out_type=jax.ShapeDtypeStruct((_N, 128), jnp.float32),
        mesh=plsc.VectorSubcoreMesh(core_axis_name="c", subcore_axis_name="s"),
        scratch_types=(
            [pltpu.VMEM((_NCH, _CHUNK), jnp.int32)]
            + [pltpu.VMEM((_CHUNK, 128), jnp.float32)] * _NBUF
            + [pltpu.SemaphoreType.DMA] * (2 * _NBUF)
        ),
        compiler_params=pltpu.CompilerParams(use_tc_tiling_on_sc=True,
                                             needs_layout_passes=False),
    )
    out2 = gather(idx, tpad)
    x_emb = out2[:, :_D].reshape(_B, _L, _D)

    cond_emb = pl.pallas_call(
        _mm_body,
        out_shape=jax.ShapeDtypeStruct((_B, _D), jnp.float32),
    )(condition, W_cond)

    return (x_emb, cond_emb)

# --- scband reference (transcript-rebuilt; emitter-appended) ---
"""Pipeline reference for scband-fsq-encoder-embedding-14834817040782 (READ-ONLY COPY).

The authoritative reference and input builder live on the scoring server;
editing this copy changes nothing except your own understanding.
"""

import jax, jax.numpy as jnp
import numpy as np

VOCAB = 1000000
D_MODEL = 64
COND_DIM = 128
B = 4096
L = 200

def setup_inputs(seed: int = 0) -> dict:
    key = jax.random.key(seed)
    k1, k2, k3, k4 = jax.random.split(key, 4)
    x = jax.random.randint(k1, (B, L), 0, VOCAB, dtype=jnp.int64 if jax.config.jax_enable_x64 else jnp.int32)
    condition = jax.random.normal(k2, (B, COND_DIM), dtype=jnp.float32)
    # learned params
    table = jax.random.normal(k3, (VOCAB, D_MODEL), dtype=jnp.float32) * 0.02
    W_cond = jax.random.normal(k4, (D_MODEL, COND_DIM), dtype=jnp.float32) * (1.0 / np.sqrt(COND_DIM))  # torch Linear weight [out, in]
    return {"x": x, "condition": condition, "table": table, "W_cond": W_cond}

def reference(x, condition, table, W_cond):
    # x_emb = nn.Embedding(vocab_size, d_model)(x)
    x_emb = jnp.take(table, x, axis=0)
    # condition_emb = nn.Linear(condition_dim, d_model, bias=False)(condition)
    condition_emb = condition @ W_cond.T
    return (x_emb, condition_emb)

if __name__ == "__main__":
    import jax
    _d = setup_inputs()
    print(jax.jit(kernel)(*tuple(_d.values())))

</pallas_src>

<mosaic_0001>
#map = affine_map<(d0, d1) -> (0, 0, 0)>
#map1 = affine_map<(d0, d1) -> (0, 0)>
module attributes {stable_mosaic.version = 14 : i64} {
  func.func @_gather_entry(%arg0: i32, %arg1: i32, %arg2: memref<32x200x128xi32, #tpu.memory_space<hbm>>, %arg3: memref<1000000x128xf32, #tpu.memory_space<hbm>>, %arg4: memref<819200x128xf32, #tpu.memory_space<hbm>>, %arg5: memref<200x128xi32, #tpu.memory_space<vmem>>, %arg6: memref<128x128xf32, #tpu.memory_space<vmem>>, %arg7: memref<128x128xf32, #tpu.memory_space<vmem>>, %arg8: memref<128x128xf32, #tpu.memory_space<vmem>>, %arg9: memref<128x128xf32, #tpu.memory_space<vmem>>, %arg10: memref<!tpu.dma_semaphore, #tpu.memory_space<semaphore_mem>>, %arg11: memref<!tpu.dma_semaphore, #tpu.memory_space<semaphore_mem>>, %arg12: memref<!tpu.dma_semaphore, #tpu.memory_space<semaphore_mem>>, %arg13: memref<!tpu.dma_semaphore, #tpu.memory_space<semaphore_mem>>, %arg14: memref<!tpu.dma_semaphore, #tpu.memory_space<semaphore_mem>>, %arg15: memref<!tpu.dma_semaphore, #tpu.memory_space<semaphore_mem>>, %arg16: memref<!tpu.dma_semaphore, #tpu.memory_space<semaphore_mem>>, %arg17: memref<!tpu.dma_semaphore, #tpu.memory_space<semaphore_mem>>) attributes {dimension_semantics = [#tpu.dimension_semantics<core_parallel>, #tpu.dimension_semantics<subcore_parallel>], iteration_bounds = array<i64: 2, 16>, scalar_prefetch = 0 : i64, scratch_operands = 13 : i64, tpu.core_type = #tpu.core_type<sc_vector_subcore>, window_params = [{transform_indices = #map}, {transform_indices = #map1}, {transform_indices = #map1}]} {
    %mul3A = arith.constant 2 : i32
    %mul3A_0 = arith.muli %arg1, %mul3A : i32
    %add3A = arith.addi %mul3A_0, %arg0 : i32
    %mul3A_1 = arith.constant 25600 : i32
    %mul3A_2 = arith.muli %add3A, %mul3A_1 : i32
    "tpu.region"() ({
      %run_scoped3A = tpu.sem_alloc : memref<!tpu.dma_semaphore, #tpu.memory_space<semaphore_mem>>
      %dma_start3A_27 = arith.constant 0 : i32
      %dma_start3A_28 = arith.constant 0 : i32
      %dma_start3A_29 = tpu.memref_slice %arg2[%add3A, %dma_start3A_27, %dma_start3A_28] : memref<32x200x128xi32, #tpu.memory_space<hbm>> -> memref<1x200x128xi32, #tpu.memory_space<hbm>>
      %dma_start3A_30 = tpu.memref_squeeze %dma_start3A_29 : memref<1x200x128xi32, #tpu.memory_space<hbm>> -> memref<200x128xi32, #tpu.memory_space<hbm>>
      %dma_start3A_31 = arith.constant 0 : i32
      %dma_start3A_32 = arith.constant 0 : i32
      %dma_start3A_33 = tpu.memref_slice %arg2[%add3A, %dma_start3A_31, %dma_start3A_32] : memref<32x200x128xi32, #tpu.memory_space<hbm>> -> memref<1x200x128xi32, #tpu.memory_space<hbm>>
      %dma_start3A_34 = tpu.memref_squeeze %dma_start3A_33 : memref<1x200x128xi32, #tpu.memory_space<hbm>> -> memref<200x128xi32, #tpu.memory_space<hbm>>
      tpu.enqueue_dma source(%dma_start3A_34 : memref<200x128xi32, #tpu.memory_space<hbm>>) target(%arg5 : memref<200x128xi32, #tpu.memory_space<vmem>>) target_semaphore(%run_scoped3A : memref<!tpu.dma_semaphore, #tpu.memory_space<semaphore_mem>>)
      %dma_wait3A_35 = arith.constant 0 : i32
      %dma_wait3A_36 = arith.constant 0 : i32
      %dma_wait3A_37 = tpu.memref_slice %arg2[%add3A, %dma_wait3A_35, %dma_wait3A_36] : memref<32x200x128xi32, #tpu.memory_space<hbm>> -> memref<1x200x128xi32, #tpu.memory_space<hbm>>
      %dma_wait3A_38 = tpu.memref_squeeze %dma_wait3A_37 : memref<1x200x128xi32, #tpu.memory_space<hbm>> -> memref<200x128xi32, #tpu.memory_space<hbm>>
      %dma_wait3A_39 = arith.constant 0 : i32
      %dma_wait3A_40 = arith.constant 0 : i32
      %dma_wait3A_41 = tpu.memref_slice %arg2[%add3A, %dma_wait3A_39, %dma_wait3A_40] : memref<32x200x128xi32, #tpu.memory_space<hbm>> -> memref<1x200x128xi32, #tpu.memory_space<hbm>>
      %dma_wait3A_42 = tpu.memref_squeeze %dma_wait3A_41 : memref<1x200x128xi32, #tpu.memory_space<hbm>> -> memref<200x128xi32, #tpu.memory_space<hbm>>
      tpu.wait_dma2 semaphore(%run_scoped3A : memref<!tpu.dma_semaphore, #tpu.memory_space<semaphore_mem>>) src(%dma_wait3A_42 : memref<200x128xi32, #tpu.memory_space<hbm>>) dst(%arg5 : memref<200x128xi32, #tpu.memory_space<vmem>>)
      tpu.yield
    }) : () -> ()
    %dma_start3A = arith.constant 0 : i32
    %dma_start3A_3 = arith.constant 0 : i32
    %dma_start3A_4 = tpu.memref_slice %arg5[%dma_start3A, %dma_start3A_3] : memref<200x128xi32, #tpu.memory_space<vmem>> -> memref<1x128xi32, #tpu.memory_space<vmem>>
    %dma_start3A_5 = tpu.memref_squeeze %dma_start3A_4 : memref<1x128xi32, #tpu.memory_space<vmem>> -> memref<128xi32, #tpu.memory_space<vmem>>
    %dma_start3A_6 = arith.constant 0 : i32
    %dma_start3A_7 = arith.constant 0 : i32
    %dma_start3A_8 = tpu.memref_slice %arg3[%dma_start3A_6, %dma_start3A_7] : memref<1000000x128xf32, #tpu.memory_space<hbm>> -> memref<1000000x128xf32, #tpu.memory_space<hbm>>
    tpu.enqueue_indirect_dma source(%dma_start3A_8 : memref<1000000x128xf32, #tpu.memory_space<hbm>>) target(%arg6 : memref<128x128xf32, #tpu.memory_space<vmem>>) offsets(%dma_start3A_5 : memref<128xi32, #tpu.memory_space<vmem>>) semaphore(%arg10 : memref<!tpu.dma_semaphore, #tpu.memory_space<semaphore_mem>>)
    %dma_start3A_9 = arith.constant 1 : i32
    %dma_start3A_10 = arith.constant 0 : i32
    %dma_start3A_11 = tpu.memref_slice %arg5[%dma_start3A_9, %dma_start3A_10] : memref<200x128xi32, #tpu.memory_space<vmem>> -> memref<1x128xi32, #tpu.memory_space<vmem>>
    %dma_start3A_12 = tpu.memref_squeeze %dma_start3A_11 : memref<1x128xi32, #tpu.memory_space<vmem>> -> memref<128xi32, #tpu.memory_space<vmem>>
    %dma_start3A_13 = arith.constant 0 : i32
    %dma_start3A_14 = arith.constant 0 : i32
    %dma_start3A_15 = tpu.memref_slice %arg3[%dma_start3A_13, %dma_start3A_14] : memref<1000000x128xf32, #tpu.memory_space<hbm>> -> memref<1000000x128xf32, #tpu.memory_space<hbm>>
    tpu.enqueue_indirect_dma source(%dma_start3A_15 : memref<1000000x128xf32, #tpu.memory_space<hbm>>) target(%arg7 : memref<128x128xf32, #tpu.memory_space<vmem>>) offsets(%dma_start3A_12 : memref<128xi32, #tpu.memory_space<vmem>>) semaphore(%arg11 : memref<!tpu.dma_semaphore, #tpu.memory_space<semaphore_mem>>)
    %scan3A = arith.constant 0 : i32
    %scan3A_16 = arith.constant 50 : i32
    %scan3A_17 = arith.addi %scan3A, %scan3A_16 : i32
    %scan3A_18 = arith.constant 1 : i32
    scf.for %scan3A_27 = %scan3A to %scan3A_17 step %scan3A_18  : i32 {
      %mul3A_28 = arith.constant 4 : i32
      %mul3A_29 = arith.muli %scan3A_27, %mul3A_28 : i32
      %add3A_30 = arith.constant 0 : i32
      %add3A_31 = arith.addi %mul3A_29, %add3A_30 : i32
      %dma_wait3A_32 = arith.constant 0 : i32
      %dma_wait3A_33 = arith.constant 0 : i32
      %dma_wait3A_34 = tpu.memref_slice %arg5[%dma_wait3A_32, %dma_wait3A_33] : memref<200x128xi32, #tpu.memory_space<vmem>> -> memref<1x128xi32, #tpu.memory_space<vmem>>
      %dma_wait3A_35 = tpu.memref_squeeze %dma_wait3A_34 : memref<1x128xi32, #tpu.memory_space<vmem>> -> memref<128xi32, #tpu.memory_space<vmem>>
      %dma_wait3A_36 = arith.constant 0 : i32
      %dma_wait3A_37 = arith.constant 0 : i32
      %dma_wait3A_38 = tpu.memref_slice %arg3[%dma_wait3A_36, %dma_wait3A_37] : memref<1000000x128xf32, #tpu.memory_space<hbm>> -> memref<1000000x128xf32, #tpu.memory_space<hbm>>
      tpu.wait_indirect_dma semaphore(%arg10 : memref<!tpu.dma_semaphore, #tpu.memory_space<semaphore_mem>>) src(%dma_wait3A_38 : memref<1000000x128xf32, #tpu.memory_space<hbm>>) dst(%arg6 : memref<128x128xf32, #tpu.memory_space<vmem>>)
      %mul3A_39 = arith.constant 128 : i32
      %mul3A_40 = arith.muli %add3A_31, %mul3A_39 : i32
      %add3A_41 = arith.addi %mul3A_2, %mul3A_40 : i32
      %dma_start3A_42 = arith.constant 0 : i32
      %dma_start3A_43 = tpu.memref_slice %arg4[%add3A_41, %dma_start3A_42] : memref<819200x128xf32, #tpu.memory_space<hbm>> -> memref<128x128xf32, #tpu.memory_space<hbm>>
      %dma_start3A_44 = arith.constant 0 : i32
      %dma_start3A_45 = tpu.memref_slice %arg4[%add3A_41, %dma_start3A_44] : memref<819200x128xf32, #tpu.memory_space<hbm>> -> memref<128x128xf32, #tpu.memory_space<hbm>>
      tpu.enqueue_dma source(%arg6 : memref<128x128xf32, #tpu.memory_space<vmem>>) target(%dma_start3A_45 : memref<128x128xf32, #tpu.memory_space<hbm>>) target_semaphore(%arg14 : memref<!tpu.dma_semaphore, #tpu.memory_space<semaphore_mem>>)
      %add3A_46 = arith.constant 2 : i32
      %add3A_47 = arith.addi %add3A_31, %add3A_46 : i32
      %ge3A = arith.constant 4 : i32
      %ge3A_48 = arith.cmpi sge, %add3A_47, %ge3A : i32
      %convert_element_type3A = arith.extui %ge3A_48 : i1 to i32
      %cond3A = arith.constant 0 : i32
      %cond3A_49 = arith.cmpi ne, %convert_element_type3A, %cond3A : i32
      scf.if %cond3A_49 {
        %dma_wait3A_144 = arith.constant 0 : i32
        %dma_wait3A_145 = tpu.memref_slice %arg4[%mul3A_2, %dma_wait3A_144] : memref<819200x128xf32, #tpu.memory_space<hbm>> -> memref<128x128xf32, #tpu.memory_space<hbm>>
        %dma_wait3A_146 = arith.constant 0 : i32
        %dma_wait3A_147 = tpu.memref_slice %arg4[%mul3A_2, %dma_wait3A_146] : memref<819200x128xf32, #tpu.memory_space<hbm>> -> memref<128x128xf32, #tpu.memory_space<hbm>>
        tpu.wait_dma2 semaphore(%arg16 : memref<!tpu.dma_semaphore, #tpu.memory_space<semaphore_mem>>) src(%arg8 : memref<128x128xf32, #tpu.memory_space<vmem>>) dst(%dma_wait3A_147 : memref<128x128xf32, #tpu.memory_space<hbm>>)
      } else {
      }
      %lt3A = arith.constant 200 : i32
      %lt3A_50 = arith.cmpi slt, %add3A_47, %lt3A : i32
      %convert_element_type3A_51 = arith.extui %lt3A_50 : i1 to i32
      %cond3A_52 = arith.constant 0 : i32
      %cond3A_53 = arith.cmpi ne, %convert_element_type3A_51, %cond3A_52 : i32
      scf.if %cond3A_53 {
        %dma_start3A_144 = arith.constant 0 : i32
        %dma_start3A_145 = tpu.memref_slice %arg5[%add3A_47, %dma_start3A_144] : memref<200x128xi32, #tpu.memory_space<vmem>> -> memref<1x128xi32, #tpu.memory_space<vmem>>
        %dma_start3A_146 = tpu.memref_squeeze %dma_start3A_145 : memref<1x128xi32, #tpu.memory_space<vmem>> -> memref<128xi32, #tpu.memory_space<vmem>>
        %dma_start3A_147 = arith.constant 0 : i32
        %dma_start3A_148 = arith.constant 0 : i32
        %dma_start3A_149 = tpu.memref_slice %arg3[%dma_start3A_147, %dma_start3A_148] : memref<1000000x128xf32, #tpu.memory_space<hbm>> -> memref<1000000x128xf32, #tpu.memory_space<hbm>>
        tpu.enqueue_indirect_dma source(%dma_start3A_149 : memref<1000000x128xf32, #tpu.memory_space<hbm>>) target(%arg8 : memref<128x128xf32, #tpu.memory_space<vmem>>) offsets(%dma_start3A_146 : memref<128xi32, #tpu.memory_space<vmem>>) semaphore(%arg12 : memref<!tpu.dma_semaphore, #tpu.memory_space<semaphore_mem>>)
      } else {
      }
      %mul3A_54 = arith.constant 4 : i32
      %mul3A_55 = arith.muli %scan3A_27, %mul3A_54 : i32
      %add3A_56 = arith.constant 1 : i32
      %add3A_57 = arith.addi %mul3A_55, %add3A_56 : i32
      %dma_wait3A_58 = arith.constant 0 : i32
      %dma_wait3A_59 = arith.constant 0 : i32
      %dma_wait3A_60 = tpu.memref_slice %arg5[%dma_wait3A_58, %dma_wait3A_59] : memref<200x128xi32, #tpu.memory_space<vmem>> -> memref<1x128xi32, #tpu.memory_space<vmem>>
      %dma_wait3A_61 = tpu.memref_squeeze %dma_wait3A_60 : memref<1x128xi32, #tpu.memory_space<vmem>> -> memref<128xi32, #tpu.memory_space<vmem>>
      %dma_wait3A_62 = arith.constant 0 : i32
      %dma_wait3A_63 = arith.constant 0 : i32
      %dma_wait3A_64 = tpu.memref_slice %arg3[%dma_wait3A_62, %dma_wait3A_63] : memref<1000000x128xf32, #tpu.memory_space<hbm>> -> memref<1000000x128xf32, #tpu.memory_space<hbm>>
      tpu.wait_indirect_dma semaphore(%arg11 : memref<!tpu.dma_semaphore, #tpu.memory_space<semaphore_mem>>) src(%dma_wait3A_64 : memref<1000000x128xf32, #tpu.memory_space<hbm>>) dst(%arg7 : memref<128x128xf32, #tpu.memory_space<vmem>>)
      %mul3A_65 = arith.constant 128 : i32
      %mul3A_66 = arith.muli %add3A_57, %mul3A_65 : i32
      %add3A_67 = arith.addi %mul3A_2, %mul3A_66 : i32
      %dma_start3A_68 = arith.constant 0 : i32
      %dma_start3A_69 = tpu.memref_slice %arg4[%add3A_67, %dma_start3A_68] : memref<819200x128xf32, #tpu.memory_space<hbm>> -> memref<128x128xf32, #tpu.memory_space<hbm>>
      %dma_start3A_70 = arith.constant 0 : i32
      %dma_start3A_71 = tpu.memref_slice %arg4[%add3A_67, %dma_start3A_70] : memref<819200x128xf32, #tpu.memory_space<hbm>> -> memref<128x128xf32, #tpu.memory_space<hbm>>
      tpu.enqueue_dma source(%arg7 : memref<128x128xf32, #tpu.memory_space<vmem>>) target(%dma_start3A_71 : memref<128x128xf32, #tpu.memory_space<hbm>>) target_semaphore(%arg15 : memref<!tpu.dma_semaphore, #tpu.memory_space<semaphore_mem>>)
      %add3A_72 = arith.constant 2 : i32
      %add3A_73 = arith.addi %add3A_57, %add3A_72 : i32
      %ge3A_74 = arith.constant 4 : i32
      %ge3A_75 = arith.cmpi sge, %add3A_73, %ge3A_74 : i32
      %convert_element_type3A_76 = arith.extui %ge3A_75 : i1 to i32
      %cond3A_77 = arith.constant 0 : i32
      %cond3A_78 = arith.cmpi ne, %convert_element_type3A_76, %cond3A_77 : i32
      scf.if %cond3A_78 {
        %dma_wait3A_144 = arith.constant 0 : i32
        %dma_wait3A_145 = tpu.memref_slice %arg4[%mul3A_2, %dma_wait3A_144] : memref<819200x128xf32, #tpu.memory_space<hbm>> -> memref<128x128xf32, #tpu.memory_space<hbm>>
        %dma_wait3A_146 = arith.constant 0 : i32
        %dma_wait3A_147 = tpu.memref_slice %arg4[%mul3A_2, %dma_wait3A_146] : memref<819200x128xf32, #tpu.memory_space<hbm>> -> memref<128x128xf32, #tpu.memory_space<hbm>>
        tpu.wait_dma2 semaphore(%arg17 : memref<!tpu.dma_semaphore, #tpu.memory_space<semaphore_mem>>) src(%arg9 : memref<128x128xf32, #tpu.memory_space<vmem>>) dst(%dma_wait3A_147 : memref<128x128xf32, #tpu.memory_space<hbm>>)
      } else {
      }
      %lt3A_79 = arith.constant 200 : i32
      %lt3A_80 = arith.cmpi slt, %add3A_73, %lt3A_79 : i32
      %convert_element_type3A_81 = arith.extui %lt3A_80 : i1 to i32
      %cond3A_82 = arith.constant 0 : i32
      %cond3A_83 = arith.cmpi ne, %convert_element_type3A_81, %cond3A_82 : i32
      scf.if %cond3A_83 {
        %dma_start3A_144 = arith.constant 0 : i32
        %dma_start3A_145 = tpu.memref_slice %arg5[%add3A_73, %dma_start3A_144] : memref<200x128xi32, #tpu.memory_space<vmem>> -> memref<1x128xi32, #tpu.memory_space<vmem>>
        %dma_start3A_146 = tpu.memref_squeeze %dma_start3A_145 : memref<1x128xi32, #tpu.memory_space<vmem>> -> memref<128xi32, #tpu.memory_space<vmem>>
        %dma_start3A_147 = arith.constant 0 : i32
        %dma_start3A_148 = arith.constant 0 : i32
        %dma_start3A_149 = tpu.memref_slice %arg3[%dma_start3A_147, %dma_start3A_148] : memref<1000000x128xf32, #tpu.memory_space<hbm>> -> memref<1000000x128xf32, #tpu.memory_space<hbm>>
        tpu.enqueue_indirect_dma source(%dma_start3A_149 : memref<1000000x128xf32, #tpu.memory_space<hbm>>) target(%arg9 : memref<128x128xf32, #tpu.memory_space<vmem>>) offsets(%dma_start3A_146 : memref<128xi32, #tpu.memory_space<vmem>>) semaphore(%arg13 : memref<!tpu.dma_semaphore, #tpu.memory_space<semaphore_mem>>)
      } else {
      }
      %mul3A_84 = arith.constant 4 : i32
      %mul3A_85 = arith.muli %scan3A_27, %mul3A_84 : i32
      %add3A_86 = arith.constant 2 : i32
      %add3A_87 = arith.addi %mul3A_85, %add3A_86 : i32
      %dma_wait3A_88 = arith.constant 0 : i32
      %dma_wait3A_89 = arith.constant 0 : i32
      %dma_wait3A_90 = tpu.memref_slice %arg5[%dma_wait3A_88, %dma_wait3A_89] : memref<200x128xi32, #tpu.memory_space<vmem>> -> memref<1x128xi32, #tpu.memory_space<vmem>>
      %dma_wait3A_91 = tpu.memref_squeeze %dma_wait3A_90 : memref<1x128xi32, #tpu.memory_space<vmem>> -> memref<128xi32, #tpu.memory_space<vmem>>
      %dma_wait3A_92 = arith.constant 0 : i32
      %dma_wait3A_93 = arith.constant 0 : i32
      %dma_wait3A_94 = tpu.memref_slice %arg3[%dma_wait3A_92, %dma_wait3A_93] : memref<1000000x128xf32, #tpu.memory_space<hbm>> -> memref<1000000x128xf32, #tpu.memory_space<hbm>>
      tpu.wait_indirect_dma semaphore(%arg12 : memref<!tpu.dma_semaphore, #tpu.memory_space<semaphore_mem>>) src(%dma_wait3A_94 : memref<1000000x128xf32, #tpu.memory_space<hbm>>) dst(%arg8 : memref<128x128xf32, #tpu.memory_space<vmem>>)
      %mul3A_95 = arith.constant 128 : i32
      %mul3A_96 = arith.muli %add3A_87, %mul3A_95 : i32
      %add3A_97 = arith.addi %mul3A_2, %mul3A_96 : i32
      %dma_start3A_98 = arith.constant 0 : i32
      %dma_start3A_99 = tpu.memref_slice %arg4[%add3A_97, %dma_start3A_98] : memref<819200x128xf32, #tpu.memory_space<hbm>> -> memref<128x128xf32, #tpu.memory_space<hbm>>
      %dma_start3A_100 = arith.constant 0 : i32
      %dma_start3A_101 = tpu.memref_slice %arg4[%add3A_97, %dma_start3A_100] : memref<819200x128xf32, #tpu.memory_space<hbm>> -> memref<128x128xf32, #tpu.memory_space<hbm>>
      tpu.enqueue_dma source(%arg8 : memref<128x128xf32, #tpu.memory_space<vmem>>) target(%dma_start3A_101 : memref<128x128xf32, #tpu.memory_space<hbm>>) target_semaphore(%arg16 : memref<!tpu.dma_semaphore, #tpu.memory_space<semaphore_mem>>)
      %add3A_102 = arith.constant 2 : i32
      %add3A_103 = arith.addi %add3A_87, %add3A_102 : i32
      %ge3A_104 = arith.constant 4 : i32
      %ge3A_105 = arith.cmpi sge, %add3A_103, %ge3A_104 : i32
      %convert_element_type3A_106 = arith.extui %ge3A_105 : i1 to i32
      %cond3A_107 = arith.constant 0 : i32
      %cond3A_108 = arith.cmpi ne, %convert_element_type3A_106, %cond3A_107 : i32
      scf.if %cond3A_108 {
        %dma_wait3A_144 = arith.constant 0 : i32
        %dma_wait3A_145 = tpu.memref_slice %arg4[%mul3A_2, %dma_wait3A_144] : memref<819200x128xf32, #tpu.memory_space<hbm>> -> memref<128x128xf32, #tpu.memory_space<hbm>>
        %dma_wait3A_146 = arith.constant 0 : i32
        %dma_wait3A_147 = tpu.memref_slice %arg4[%mul3A_2, %dma_wait3A_146] : memref<819200x128xf32, #tpu.memory_space<hbm>> -> memref<128x128xf32, #tpu.memory_space<hbm>>
        tpu.wait_dma2 semaphore(%arg14 : memref<!tpu.dma_semaphore, #tpu.memory_space<semaphore_mem>>) src(%arg6 : memref<128x128xf32, #tpu.memory_space<vmem>>) dst(%dma_wait3A_147 : memref<128x128xf32, #tpu.memory_space<hbm>>)
      } else {
      }
      %lt3A_109 = arith.constant 200 : i32
      %lt3A_110 = arith.cmpi slt, %add3A_103, %lt3A_109 : i32
      %convert_element_type3A_111 = arith.extui %lt3A_110 : i1 to i32
      %cond3A_112 = arith.constant 0 : i32
      %cond3A_113 = arith.cmpi ne, %convert_element_type3A_111, %cond3A_112 : i32
      scf.if %cond3A_113 {
        %dma_start3A_144 = arith.constant 0 : i32
        %dma_start3A_145 = tpu.memref_slice %arg5[%add3A_103, %dma_start3A_144] : memref<200x128xi32, #tpu.memory_space<vmem>> -> memref<1x128xi32, #tpu.memory_space<vmem>>
        %dma_start3A_146 = tpu.memref_squeeze %dma_start3A_145 : memref<1x128xi32, #tpu.memory_space<vmem>> -> memref<128xi32, #tpu.memory_space<vmem>>
        %dma_start3A_147 = arith.constant 0 : i32
        %dma_start3A_148 = arith.constant 0 : i32
        %dma_start3A_149 = tpu.memref_slice %arg3[%dma_start3A_147, %dma_start3A_148] : memref<1000000x128xf32, #tpu.memory_space<hbm>> -> memref<1000000x128xf32, #tpu.memory_space<hbm>>
        tpu.enqueue_indirect_dma source(%dma_start3A_149 : memref<1000000x128xf32, #tpu.memory_space<hbm>>) target(%arg6 : memref<128x128xf32, #tpu.memory_space<vmem>>) offsets(%dma_start3A_146 : memref<128xi32, #tpu.memory_space<vmem>>) semaphore(%arg10 : memref<!tpu.dma_semaphore, #tpu.memory_space<semaphore_mem>>)
      } else {
      }
      %mul3A_114 = arith.constant 4 : i32
      %mul3A_115 = arith.muli %scan3A_27, %mul3A_114 : i32
      %add3A_116 = arith.constant 3 : i32
      %add3A_117 = arith.addi %mul3A_115, %add3A_116 : i32
      %dma_wait3A_118 = arith.constant 0 : i32
      %dma_wait3A_119 = arith.constant 0 : i32
      %dma_wait3A_120 = tpu.memref_slice %arg5[%dma_wait3A_118, %dma_wait3A_119] : memref<200x128xi32, #tpu.memory_space<vmem>> -> memref<1x128xi32, #tpu.memory_space<vmem>>
      %dma_wait3A_121 = tpu.memref_squeeze %dma_wait3A_120 : memref<1x128xi32, #tpu.memory_space<vmem>> -> memref<128xi32, #tpu.memory_space<vmem>>
      %dma_wait3A_122 = arith.constant 0 : i32
      %dma_wait3A_123 = arith.constant 0 : i32
      %dma_wait3A_124 = tpu.memref_slice %arg3[%dma_wait3A_122, %dma_wait3A_123] : memref<1000000x128xf32, #tpu.memory_space<hbm>> -> memref<1000000x128xf32, #tpu.memory_space<hbm>>
      tpu.wait_indirect_dma semaphore(%arg13 : memref<!tpu.dma_semaphore, #tpu.memory_space<semaphore_mem>>) src(%dma_wait3A_124 : memref<1000000x128xf32, #tpu.memory_space<hbm>>) dst(%arg9 : memref<128x128xf32, #tpu.memory_space<vmem>>)
      %mul3A_125 = arith.constant 128 : i32
      %mul3A_126 = arith.muli %add3A_117, %mul3A_125 : i32
      %add3A_127 = arith.addi %mul3A_2, %mul3A_126 : i32
      %dma_start3A_128 = arith.constant 0 : i32
      %dma_start3A_129 = tpu.memref_slice %arg4[%add3A_127, %dma_start3A_128] : memref<819200x128xf32, #tpu.memory_space<hbm>> -> memref<128x128xf32, #tpu.memory_space<hbm>>
      %dma_start3A_130 = arith.constant 0 : i32
      %dma_start3A_131 = tpu.memref_slice %arg4[%add3A_127, %dma_start3A_130] : memref<819200x128xf32, #tpu.memory_space<hbm>> -> memref<128x128xf32, #tpu.memory_space<hbm>>
      tpu.enqueue_dma source(%arg9 : memref<128x128xf32, #tpu.memory_space<vmem>>) target(%dma_start3A_131 : memref<128x128xf32, #tpu.memory_space<hbm>>) target_semaphore(%arg17 : memref<!tpu.dma_semaphore, #tpu.memory_space<semaphore_mem>>)
      %add3A_132 = arith.constant 2 : i32
      %add3A_133 = arith.addi %add3A_117, %add3A_132 : i32
      %ge3A_134 = arith.constant 4 : i32
      %ge3A_135 = arith.cmpi sge, %add3A_133, %ge3A_134 : i32
      %convert_element_type3A_136 = arith.extui %ge3A_135 : i1 to i32
      %cond3A_137 = arith.constant 0 : i32
      %cond3A_138 = arith.cmpi ne, %convert_element_type3A_136, %cond3A_137 : i32
      scf.if %cond3A_138 {
        %dma_wait3A_144 = arith.constant 0 : i32
        %dma_wait3A_145 = tpu.memref_slice %arg4[%mul3A_2, %dma_wait3A_144] : memref<819200x128xf32, #tpu.memory_space<hbm>> -> memref<128x128xf32, #tpu.memory_space<hbm>>
        %dma_wait3A_146 = arith.constant 0 : i32
        %dma_wait3A_147 = tpu.memref_slice %arg4[%mul3A_2, %dma_wait3A_146] : memref<819200x128xf32, #tpu.memory_space<hbm>> -> memref<128x128xf32, #tpu.memory_space<hbm>>
        tpu.wait_dma2 semaphore(%arg15 : memref<!tpu.dma_semaphore, #tpu.memory_space<semaphore_mem>>) src(%arg7 : memref<128x128xf32, #tpu.memory_space<vmem>>) dst(%dma_wait3A_147 : memref<128x128xf32, #tpu.memory_space<hbm>>)
      } else {
      }
      %lt3A_139 = arith.constant 200 : i32
      %lt3A_140 = arith.cmpi slt, %add3A_133, %lt3A_139 : i32
      %convert_element_type3A_141 = arith.extui %lt3A_140 : i1 to i32
      %cond3A_142 = arith.constant 0 : i32
      %cond3A_143 = arith.cmpi ne, %convert_element_type3A_141, %cond3A_142 : i32
      scf.if %cond3A_143 {
        %dma_start3A_144 = arith.constant 0 : i32
        %dma_start3A_145 = tpu.memref_slice %arg5[%add3A_133, %dma_start3A_144] : memref<200x128xi32, #tpu.memory_space<vmem>> -> memref<1x128xi32, #tpu.memory_space<vmem>>
        %dma_start3A_146 = tpu.memref_squeeze %dma_start3A_145 : memref<1x128xi32, #tpu.memory_space<vmem>> -> memref<128xi32, #tpu.memory_space<vmem>>
        %dma_start3A_147 = arith.constant 0 : i32
        %dma_start3A_148 = arith.constant 0 : i32
        %dma_start3A_149 = tpu.memref_slice %arg3[%dma_start3A_147, %dma_start3A_148] : memref<1000000x128xf32, #tpu.memory_space<hbm>> -> memref<1000000x128xf32, #tpu.memory_space<hbm>>
        tpu.enqueue_indirect_dma source(%dma_start3A_149 : memref<1000000x128xf32, #tpu.memory_space<hbm>>) target(%arg7 : memref<128x128xf32, #tpu.memory_space<vmem>>) offsets(%dma_start3A_146 : memref<128xi32, #tpu.memory_space<vmem>>) semaphore(%arg11 : memref<!tpu.dma_semaphore, #tpu.memory_space<semaphore_mem>>)
      } else {
      }
    }
    %scan3A_19 = arith.constant 50 : i32
    %dma_wait3A = arith.constant 0 : i32
    %dma_wait3A_20 = tpu.memref_slice %arg4[%mul3A_2, %dma_wait3A] : memref<819200x128xf32, #tpu.memory_space<hbm>> -> memref<128x128xf32, #tpu.memory_space<hbm>>
    %dma_wait3A_21 = arith.constant 0 : i32
    %dma_wait3A_22 = tpu.memref_slice %arg4[%mul3A_2, %dma_wait3A_21] : memref<819200x128xf32, #tpu.memory_space<hbm>> -> memref<128x128xf32, #tpu.memory_space<hbm>>
    tpu.wait_dma2 semaphore(%arg16 : memref<!tpu.dma_semaphore, #tpu.memory_space<semaphore_mem>>) src(%arg8 : memref<128x128xf32, #tpu.memory_space<vmem>>) dst(%dma_wait3A_22 : memref<128x128xf32, #tpu.memory_space<hbm>>)
    %dma_wait3A_23 = arith.constant 0 : i32
    %dma_wait3A_24 = tpu.memref_slice %arg4[%mul3A_2, %dma_wait3A_23] : memref<819200x128xf32, #tpu.memory_space<hbm>> -> memref<128x128xf32, #tpu.memory_space<hbm>>
    %dma_wait3A_25 = arith.constant 0 : i32
    %dma_wait3A_26 = tpu.memref_slice %arg4[%mul3A_2, %dma_wait3A_25] : memref<819200x128xf32, #tpu.memory_space<hbm>> -> memref<128x128xf32, #tpu.memory_space<hbm>>
    tpu.wait_dma2 semaphore(%arg17 : memref<!tpu.dma_semaphore, #tpu.memory_space<semaphore_mem>>) src(%arg9 : memref<128x128xf32, #tpu.memory_space<vmem>>) dst(%dma_wait3A_26 : memref<128x128xf32, #tpu.memory_space<hbm>>)
    return
  }
}

module attributes {stable_mosaic.version = 14 : i64} {
  func.func @_mm_body(%arg0: memref<4096x128xf32, #tpu.memory_space<vmem>>, %arg1: memref<64x128xf32, #tpu.memory_space<vmem>>, %arg2: memref<4096x64xf32, #tpu.memory_space<vmem>>) attributes {dimension_semantics = [], scalar_prefetch = 0 : i64, scratch_operands = 0 : i64, tpu.core_type = #tpu.core_type<tc>} {
    %get3A = arith.constant 0 : index
    %get3A_0 = arith.constant 0 : index
    %get3A_1 = vector.load %arg0[%get3A, %get3A_0] : memref<4096x128xf32, #tpu.memory_space<vmem>>, vector<4096x128xf32>
    %get3A_2 = arith.constant 0 : index
    %get3A_3 = arith.constant 0 : index
    %get3A_4 = vector.load %arg1[%get3A_2, %get3A_3] : memref<64x128xf32, #tpu.memory_space<vmem>>, vector<64x128xf32>
    %dot_general3A = arith.constant dense<0.000000e+00> : vector<4096x64xf32>
    %dot_general3A_5 = tpu.matmul %get3A_1, %get3A_4, %dot_general3A {dimension_numbers = #tpu.dot_dimension_numbers<[1], [1], [0], [0], [0, 0, 1, 0], [], []>, transpose_lhs_hint = false} : vector<4096x128xf32>, vector<64x128xf32>, vector<4096x64xf32> -> vector<4096x64xf32>
    %swap3A = arith.constant 0 : index
    %swap3A_6 = arith.constant 0 : index
    %swap3A_7 = vector.load %arg2[%swap3A, %swap3A_6] : memref<4096x64xf32, #tpu.memory_space<vmem>>, vector<4096x64xf32>
    tpu.vector_store %arg2[%swap3A, %swap3A_6], %dot_general3A_5 {strides = array<i32>} : memref<4096x64xf32, #tpu.memory_space<vmem>>, vector<4096x64xf32>,
    return
  }
}

</mosaic_0001>

<sc_bundles>
// kernel: kernel.4.cloned.1.call-start
scs
__scs_entry_jumppad:
0x0: {  	(pc) =	sbr.rel $0x88, $3  }
0x1: {  	(tag) =	ssettag $0x0;
	lr =	simm.s32 $0x1  }
0x2: {  	[smem:$0x3F9D] =	sst lr;
	_ =	strace $0xD0000000  }
0x3: {  	_ = 	snop  }
0x4: {  	_ = 	snop  }
0x5: {  	_ = 	snop  }
0x6: {  	_ = 	snop  }
0x7: {  	_ = 	snop  }
__scs_overlays_trampoline_lowered:
0x8: {  	[smem:$0x3FAC] =	sst s0  }
0x9: {  	[smem:$0x3FAD] =	sst s1  }
0xa: {  	[smem:$0x3FAE] =	sst s2  }
0xb: {  	[smem:$0x3FAF] =	sst s3  }
0xc: {  	[smem:$0x3FB0] =	sst s4  }
0xd: {  	[smem:$0x3FB1] =	sst s5  }
0xe: {  	[smem:$0x3FB2] =	sst s6  }
0xf: {  	[smem:$0x3FB3] =	sst s7  }
0x10: {  	[smem:$0x3FB4] =	sst s8  }
0x11: {  	[smem:$0x3FB5] =	sst s9;
	s0 =	simm.s32 @!p0 $0x0  }
0x12: {  	s1 =	sld [smem:$0x3F9B];
	s0 =	simm.s32 @p0 $0x1  }
0x13: {  	[smem:$0x3FB6] =	sst s0;
	s0 =	simm.s32 @!p1 $0x0  }
0x14: {  	s2 =	sld [smem:$0x3F9A];
	s0 =	simm.s32 @p1 $0x1  }
0x15: {  	[smem:$0x3FB7] =	sst s0;
	s0 =	simm.s32 @!p2 $0x0  }
0x16: {  	s3 =	sld [smem:$0x3FDB];
	s0 =	simm.s32 @p2 $0x1  }
0x17: {  	s4 =	simm.s32 $0x1BF5;
	[smem:$0x3FB9] =	sst s0  }
0x18: {  	s0 =	sld [smem:$0x3F9C];
	_ =	swait.ge [sflag:s4], $0x0  }
0x19: {  	s7 =	sld [smem:$0x3F9D]  }
0x1a: {  	s8 =	sadd.s32 $0xFFFFE003, lr  }
0x1b: {  	s9 =	sadd.s32 $0xFFFFFEF7, lr;
	s5 =	simm.s32 $0xFFFFFFFF;
	p2 =	slt.u32 s8, $0xFFFFF086  }
0x1c: {  	p1 =	slt.u32 s9, $0xF7A;
	s5 =	simm.s32 @!p2 $0x0  }
0x1d: {  	s5 =	simm.s32 @p1 $0x1;
	p0 =	seq.s32 s7, s2  }
0x1e: {  	s7 =	smul.u32 @!p0 $0xF7A, s2;
	p2 =	seq.s32 @!p0 s5, $0x0  }
0x1f: {  	s9 =	smul.u32 $0xF7A, s1;
	s8 =	simm.s32 @!p0 $0x1BF5;
	p2 =	por !p2, p0  }
0x20: {  	[sflag:s8] =	ssyncset.s32 @!p0 $0xFFFFF086;
	s6 =	sadd.s32 @!p0 s3, s7;
	s7 =	simm.s32 @!p0 $0x108  }
0x21: {  	s3 =	sadd.s32 s3, s9;
	s6 =	sadd.s32 @!p0 $0x88, s6;
	s7 =	simm.s32 @p2 $0x1082  }
0x22: {  	[simem:s7], [sflag:s8] =	dma.local @!p0 [hbm:s6], $0xF7A  }
0x23: {  	s9 =	sor.u32 $0xD0000000, s2;
	s6 =	simm.s32 $0x108;
	_ =	swait.ge @!p0 [sflag:s8], $0x0  }
0x24: {  	s3 =	sadd.s32 $0x88, s3;
	s6 =	simm.s32 @!p1 $0x1082;
	[sflag:s4] =	ssyncset.s32 $0xFFFFF086  }
0x25: {  	[simem:s6], [sflag:s4] =	dma.local [hbm:s3], $0xF7A  }
0x26: {  	[smem:$0x3F9D] =	sst s1;
	(tag) =	ssettag s2;
	_ =	strace s9  }
0x27: {  	s1 =	sld [smem:$0x3FAD]  }
0x28: {  	s2 =	sld [smem:$0x3FAE]  }
0x29: {  	s4 =	sld [smem:$0x3FB0]  }
0x2a: {  	p0 =	seq.s32 s5, $0x0;
	s5 =	sld [smem:$0x3FB1]  }
0x2b: {  	s6 =	sld [smem:$0x3FB2]  }
0x2c: {  	s7 =	sld [smem:$0x3FB3]  }
0x2d: {  	s3 =	simm.s32 $0x108;
	s8 =	sld [smem:$0x3FB4]  }
0x2e: {  	s3 =	simm.s32 @!p0 $0x1082;
	s9 =	sld [smem:$0x3FB5]  }
0x2f: {  	lr =	sadd.s32 s0, s3;
	s0 =	sld [smem:$0x3FAC]  }
0x30: {  	s3 =	sld [smem:$0x3FAF]  }
0x31: {  	[smem:$0x3FB8] =	sst s10  }
0x32: {  	s10 =	sld [smem:$0x3FB6];
	_ =	sdelay $0x3  }
0x33: {  	p0 =	seq.s32 s10, $0x1;
	s10 =	sld [smem:$0x3FB8];
	_ =	sdelay $0x3  }
0x34: {  	[smem:$0x3FB8] =	sst s10  }
0x35: {  	s10 =	sld [smem:$0x3FB7];
	_ =	sdelay $0x3  }
0x36: {  	p1 =	seq.s32 s10, $0x1;
	s10 =	sld [smem:$0x3FB8];
	_ =	sdelay $0x3  }
0x37: {  	[smem:$0x3FB8] =	sst s10  }
0x38: {  	s10 =	sld [smem:$0x3FB9]  }
0x39: {  	_ = 	snop;
	(pc) =	sbr.ind lr, $3  }
0x3a: {  	_ = 	snop  }
0x3b: {  	_ = 	snop  }
0x3c: {  	p2 =	seq.s32 s10, $0x1;
	s10 =	sld [smem:$0x3FB8]  }
0x3d: {  	_ =	shalt  }
0x3e: {  	_ =	shalt  }
0x3f: {  	_ =	shalt  }
0x40: {  	_ =	shalt  }
0x41: {  	_ =	shalt  }
0x42: {  	_ =	shalt  }
0x43: {  	_ =	shalt  }
0x44: {  	_ =	shalt  }
0x45: {  	_ =	shalt  }
0x46: {  	_ =	shalt  }
0x47: {  	_ =	shalt  }
0x48: {  	_ =	shalt  }
0x49: {  	_ =	shalt  }
0x4a: {  	_ =	shalt  }
0x4b: {  	_ =	shalt  }
0x4c: {  	_ =	shalt  }
0x4d: {  	_ =	shalt  }
0x4e: {  	_ =	shalt  }
0x4f: {  	_ =	shalt  }
0x50: {  	_ =	shalt  }
0x51: {  	_ =	shalt  }
0x52: {  	_ =	shalt  }
0x53: {  	_ =	shalt  }
0x54: {  	_ =	shalt  }
0x55: {  	_ =	shalt  }
0x56: {  	_ =	shalt  }
0x57: {  	_ =	shalt  }
0x58: {  	_ =	shalt  }
0x59: {  	_ =	shalt  }
0x5a: {  	_ =	shalt  }
0x5b: {  	_ =	shalt  }
0x5c: {  	_ =	shalt  }
0x5d: {  	_ =	shalt  }
0x5e: {  	_ =	shalt  }
0x5f: {  	_ =	shalt  }
0x60: {  	_ =	shalt  }
0x61: {  	_ =	shalt  }
0x62: {  	_ =	shalt  }
0x63: {  	_ =	shalt  }
0x64: {  	_ =	shalt  }
0x65: {  	_ =	shalt  }
0x66: {  	_ =	shalt  }
0x67: {  	_ =	shalt  }
0x68: {  	_ =	shalt  }
0x69: {  	_ =	shalt  }
0x6a: {  	_ =	shalt  }
0x6b: {  	_ =	shalt  }
0x6c: {  	_ =	shalt  }
0x6d: {  	_ =	shalt  }
0x6e: {  	_ =	shalt  }
0x6f: {  	_ =	shalt  }
0x70: {  	_ =	shalt  }
0x71: {  	_ =	shalt  }
0x72: {  	_ =	shalt  }
0x73: {  	_ =	shalt  }
0x74: {  	_ =	shalt  }
0x75: {  	_ =	shalt  }
0x76: {  	_ =	shalt  }
0x77: {  	_ =	shalt  }
0x78: {  	_ =	shalt  }
0x79: {  	_ =	shalt  }
0x7a: {  	_ =	shalt  }
0x7b: {  	_ =	shalt  }
0x7c: {  	_ =	shalt  }
0x7d: {  	_ =	shalt  }
0x7e: {  	_ =	shalt  }
0x7f: {  	_ =	shalt  }
0x80: {  	_ =	shalt  }
0x81: {  	_ =	shalt  }
0x82: {  	_ =	shalt  }
0x83: {  	_ =	shalt  }
0x84: {  	_ =	shalt  }
0x85: {  	_ =	shalt  }
0x86: {  	_ =	shalt  }
0x87: {  	_ =	shalt  }
.Lfunc_end0:
.L_simem_size_0:
called_computation.1_lowered:
.L_overlay_start_0:
0x88: {  	s2 =	sld [smem:$0x3FD9]  }
0x89: {  	s3 =	sld [smem:$0x3FFE];
	_ =	sdelay $0x1  }
0x8a: {  	s1 =	srdreg.scid  }
0x8b: {  	s0 =	sand.u32 $0x1, s1  }
0x8c: {  	s14 =	sshll.u32 s0, $0xA;
	s2 =	sadd.s32 s3, s2  }
0x8d: {  	s2 =	sadd.s32 s2, s14  }
0x8e: {  	[smem:$0x3FC4] =	sst s2  }
0x8f: {  	_ = 	snop  }
0x90: {  	s2 =	sld [smem:$0x3FD0];
	_ =	sdelay $0x2  }
0x91: {  	s15 =	simm.s32 $0xA;
	s4 =	simm.s32 $0x10  }
0x92: {  	[smem:s4], [sflag:s15] =	dma.local [hbm:s2], $0x1  }
0x93: {  	_ =	swait.eq [sflag:s15], $0x1  }
0x94: {  	[sflag:s15] =	ssyncset.done $0x0  }
0x95: {  	[sflag:s15] =	ssyncadd.s32 $0xFFFFFFFF  }
0x96: {  	s16 =	sld [smem:$0x10];
	(tm) =	ssettm $0x1  }
0x97: {  	s17 =	sld [smem:$0x3FFB];
	_ =	sdelay $0x3  }
0x98: {  	_ =	strace s17  }
0x99: {  	s3 =	sld [smem:$0x3FFC];
	_ =	sdelay $0x3  }
0x9a: {  	_ =	strace s3  }
0x9b: {  	s3 =	sld [smem:$0x3FFD];
	_ =	sdelay $0x3  }
0x9c: {  	_ =	strace s3  }
0x9d: {  	_ =	strace $0x8FFFFFFF  }
0x9e: {  	s18 =	sld [smem:$0x3FDB];
	_ =	sdelay $0x1  }
0x9f: {  	s19 =	simm.s32 $_scs_section_size  }
0xa0: {  	s5 =	simm.s32 $_size__tile_overlayer_lowered;
	s6 =	simm.s32 $_tile_overlayer_lowered  }
0xa1: {  	s22 =	simm.s32 $0x1BFF;
	s21 =	sshll.u32 s6, $0x1;
	s3 =	sadd.s32 s19, s18  }
0xa2: {  	s7 =	simm.s32 $0x0;
	s20 =	sshll.u32 s5, $0x1;
	s5 =	sadd.s32 s21, s3  }
0xa3: {  	[timem:s7], [sflag:s22] =	dma.local [hbm:s5], s20  }
0xa4: {  	_ =	swait.ge [sflag:s22], s20  }
0xa5: {  	s4 =	ssub.s32 $0x0, s20;
	[sflag:s22] =	ssyncset.done $0x0  }
0xa6: {  	[sflag:s22] =	ssyncadd.s32 s4;
	_ =	sdelay $0x1  }
0xa7: {  	s23 =	simm.s32 $0x1B8B  }
0xa8: {  	_ =	swait.ge [sflag:s23], $0x1  }
0xa9: {  	[sflag:s23] =	ssyncset.done $0x0  }
0xaa: {  	s25 =	simm.s32 $0x1B8E;
	s24 =	sld [smem:$0x3FFE];
	[sflag:s23] =	ssyncadd.s32 $0xFFFFFFFF  }
0xab: {  	s26 =	simm.s32 $execute0_lowered;
	[smem:$0x3FD2] =	sst s25  }
0xac: {  	s5 =	sshll.u32 s26, $0x1;
	_ =	strace $0x80000046;
	[dreg:$0x1] =	wrdreg $0xFFFFFFFF  }
0xad: {  	s28 =	simm.s32 $_size_execute0_lowered;
	s3 =	sadd.s32 s3, s5;
	[dreg:$0x0] =	wrdreg $0x0  }
0xae: {  	s5 =	sshll.u32 s28, $0x1;
	[dreg:$0x2] =	wrdreg s3  }
0xaf: {  	[dreg:$0x3] =	wrdreg s5  }
0xb0: {  	[dreg:$0x4] =	wrdreg $0xC0  }
0xb1: {  	_ =	task [dreg:s7], $0x5FFFF  }
0xb2: {  	[dreg:$0x1] =	wrdreg $0xFFFFFFFF  }
0xb3: {  	[dreg:$0x0] =	wrdreg $0x60  }
0xb4: {  	[dreg:$0x2] =	wrdreg s16  }
0xb5: {  	[dreg:$0x3] =	wrdreg s24  }
0xb6: {  	[dreg:$0x4] =	wrdreg $0x9  }
0xb7: {  	_ =	task.clear_ibuf [dreg:s7], $0x5FFFF;
	_ =	strace $0x90000046  }
0xb8: {  	s29 =	simm.s32 $0x9;
	_ =	strace $0x80000048  }
0xb9: {  	_ =	swait.ge [sflag:s29], $0x1  }
0xba: {  	[sflag:s29] =	ssyncadd.s32 $0xFFFFFFFF  }
0xbb: {  	_ =	strace $0x90000048  }
0xbc: {  	_ =	sfence  }
0xbd: {  	s30 =	sld [smem:$0x0];
	_ =	sdelay $0x2  }
0xbe: {  	s31 =	sshll.u32 s1, $0xD;
	s1 =	sshrl.u32 s1, $0x2  }
0xbf: {  	s3 =	sand.u32 $0x4000, s31;
	s1 =	sadd.s32 s1, s30  }
0xc0: {  	s0 =	sor.u32 s3, s0;
	s1 =	sshll.u32 s1, $0x11  }
0xc1: {  	s0 =	sor.u32 s1, s0  }
0xc2: {  	s0 =	sadd.s32 $0x8F2B, s0  }
0xc3: {  	[sflag:s0] =	ssyncadd.remote.s32 $0x1  }
0xc4: {  	_ =	sfence.sel $0xFFFF  }
0xc5: {  	[dreg:$0x0] =	wrdreg $0xFFFFFFFF;
	(pc) =	sbr.abs _section_cstart, $3  }
0xc6: {  	[dreg:$0x1] =	wrdreg $0xFFFFFFFF  }
0xc7: {  	_ =	task.clear_ibuf [dreg:s7], $0x2FFFF;
	_ =	strace $0x9FFFFFFF  }
0xc8: {  	(tm) =	ssettm $0x7FFFFFFF  }
0xc9: {  	_ =	shalt  }
tec
execute0_lowered:
.L_overlay_start_1:
0x0: {  	(tag) =	ssettag $0x1  }
0x1: {  	s1 =	srdreg.scid  }
0x2: {  	s0 =	stileid.u32;
	s4 =	rddreg [dreg:$0x0]  }
0x3: {  	s6 =	rddreg [dreg:$0x1];
	s2 =	simm.s32 $0x0;
	s14 =	simm.s32 $0x1  }
0x4: {  	s15 =	simm.s32 $0xE400;
	s16 =	simm.s32 $0x2;
	s17 =	simm.s32 $0x12400  }
0x5: {  	s18 =	simm.s32 $0x3;
	s19 =	simm.s32 $0x5;
	s20 =	simm.s32 $0x4  }
0x6: {  	s21 =	simm.s32 $0x6;
	s22 =	simm.s32 $0x7;
	s8 =	smul.u32 $0xC8000, s0  }
0x7: {  	s5 =	sand.u32 $0x1, s1;
	s23 =	sshll.u32 s0, $0x1;
	s11 =	smul.u32 $0x640000, s0  }
0x8: {  	[smem:$0x7FF] =	sst s2;
	s12 =	sadd.s32 $0xE00, s6;
	s9 =	smul.u32 $0x64000, s5  }
0x9: {  	s3 =	sor.u32 s5, s23;
	_ =	strace $0x80000047;
	s13 =	smul.u32 $0x320000, s5  }
0xa: {  	s10 =	ssub.s32 $0x2, s5;
	s23 =	simm.s32 $0x8;
	s7 =	smul.u32 $0xC80, s3  }
0xb: {  	s3 =	sadd.s32 $0xF43200, s6;
	s24 =	sshrl.u32 s10, $0x1;
	s28 =	sadd.s32 s8, s12  }
0xc: {  	s25 =	ssub.s32 s10, s24;
	s6 =	sadd.s32 s9, s28;
	s29 =	sadd.s32 s13, s11  }
0xd: {  	s10 =	simm.s32 $0x9;
	s11 =	simm.s32 $0x80;
	s13 =	simm.s32 $0xA400  }
.Ltmp0:
0xe: {  	s24 =	simm.s32 $0x0;
	s26 =	sadd.s32 s4, s7;
	(pc) =	sbr.rel .LBB2_1-.Ltmp0, $4  }
0xf: {  	s5 =	smax.u32 s25, $0x1;
	s6 =	sadd.s32 $0x800, s6;
	s30 =	sor.u32 $0xC000, s29  }
0x10: {  	s31 =	sor.u32 $0x8000, s29;
	s7 =	sshrl.u32 s29, $0x3;
	[dreg:$0x3] =	wrdreg s26  }
0x11: {  	s8 =	sshrl.u32 s30, $0x3;
	s9 =	sshrl.u32 s31, $0x3;
	s7 =	sadd.s32 s7, s12  }
0x12: {  	s8 =	sadd.s32 s8, s12;
	s9 =	sadd.s32 s9, s12;
	s12 =	simm.s32 $0x6400  }
.LBB2_4:
0x13: {  	s24 =	sadd.s32 $0x1, s24  }
0x14: {  	_ =	swait.ge [sflag:s22], $0x4000;
	p0 =	sne.s32 s24, s5  }
.Ltmp1:
0x15: {  	[sflag:s22] =	ssyncset.done $0x0;
	(pc) =	sbr.rel @!p0 .LBB2_5-.Ltmp1, $4  }
0x16: {  	[sflag:s22] =	ssyncadd.s32 $0xFFFFC000  }
0x17: {  	_ =	swait.ge [sflag:s23], $0x4000  }
0x18: {  	[sflag:s23] =	ssyncset.done $0x0  }
0x19: {  	[sflag:s23] =	ssyncadd.s32 $0xFFFFC000  }
.LBB2_1:
0x1a: {  	s0 =	rddreg [dreg:$0x3]  }
0x1b: {  	[tilespmem:s2], [sflag:$0x9] =	stream.linear.gather [hbm4b:s0+s2], $0x6400, $0x38;
	[tilespmem:$0x16400] =	vst v63  }
0x1c: {  	_ =	swait.ge [sflag:s10], $0x6400  }
0x1d: {  	[sflag:s10] =	ssyncset.done $0x0  }
0x1e: {  	s25 =	smov.u32 s9;
	s26 =	smov.u32 s8;
	[sflag:s10] =	ssyncadd.s32 $0xFFFF9C00  }
0x1f: {  	[tilespmem:s12], [sflag:$0x1] =	stream.indirect.gather [hbm4b:s3+s11], $0x80, s2, s11, $0xb8;
	[tilespmem:$0x16400] =	vst v63  }
0x20: {  	s28 =	smov.u32 s7;
	s29 =	smov.u32 s6;
	s30 =	simm.s32 $0x0  }
0x21: {  	[tilespmem:s13], [sflag:$0x2] =	stream.indirect.gather [hbm4b:s3+s11], $0x80, s11, s11, $0xb8;
	[tilespmem:$0x16400] =	vst v63  }
.LBB2_2:
0x22: {  	_ =	swait.ge [sflag:s14], $0x4000  }
0x23: {  	p0 =	seq.s32 s30, $0x0;
	[sflag:s14] =	ssyncset.done $0x0  }
0x24: {  	s1 =	simm.s32 @!p0 $0x7;
	[sflag:s14] =	ssyncadd.s32 $0xFFFFC000  }
0x25: {  	[hbm4b:s28+s2] =	stream.linear.scatter [tilespmem:s12], [sflag:$0x5], $0x4000, $0x38;
	[tilespmem:$0x16400] =	vst v63  }
0x26: {  	_ =	swait.ge @!p0 [sflag:s1], $0x4000  }
0x27: {  	s31 =	sshra.s32 s30, $0x2;
	[sflag:s1] =	ssyncset.done @!p0 $0x0  }
0x28: {  	s0 =	sadd.s32 $0x100, s31;
	[sflag:s1] =	ssyncadd.s32 @!p0 $0xFFFFC000  }
0x29: {  	[tilespmem:s15], [sflag:$0x3] =	stream.indirect.gather [hbm4b:s3+s11], $0x80, s0, s11, $0xb8;
	[tilespmem:$0x16400] =	vst v63  }
0x2a: {  	_ =	swait.ge [sflag:s16], $0x4000  }
0x2b: {  	[sflag:s16] =	ssyncset.done $0x0  }
0x2c: {  	s1 =	simm.s32 @!p0 $0x8;
	[sflag:s16] =	ssyncadd.s32 $0xFFFFC000  }
0x2d: {  	[hbm4b:s29+s2] =	stream.linear.scatter [tilespmem:s13], [sflag:$0x6], $0x4000, $0x38;
	[tilespmem:$0x16400] =	vst v63  }
0x2e: {  	_ =	swait.ge @!p0 [sflag:s1], $0x4000  }
0x2f: {  	[sflag:s1] =	ssyncset.done @!p0 $0x0  }
0x30: {  	s4 =	sadd.s32 $0x180, s31;
	[sflag:s1] =	ssyncadd.s32 @!p0 $0xFFFFC000  }
0x31: {  	[tilespmem:s17], [sflag:$0x4] =	stream.indirect.gather [hbm4b:s3+s11], $0x80, s4, s11, $0xb8;
	[tilespmem:$0x16400] =	vst v63  }
0x32: {  	_ =	swait.ge [sflag:s18], $0x4000  }
0x33: {  	[sflag:s18] =	ssyncset.done $0x0  }
0x34: {  	[sflag:s18] =	ssyncadd.s32 $0xFFFFC000  }
0x35: {  	[hbm4b:s25+s2] =	stream.linear.scatter [tilespmem:s15], [sflag:$0x7], $0x4000, $0x38;
	[tilespmem:$0x16400] =	vst v63  }
0x36: {  	p0 =	seq.s32 s30, $0x18800;
	_ =	swait.ge [sflag:s19], $0x4000  }
0x37: {  	s1 =	sshra.s32 @!p0 s30, $0x2;
	s0 =	simm.s32 @!p0 $0x80;
	[sflag:s19] =	ssyncset.done $0x0  }
0x38: {  	s4 =	simm.s32 @!p0 $0x6400;
	s1 =	sadd.s32 @!p0 $0x200, s1;
	[sflag:s19] =	ssyncadd.s32 $0xFFFFC000  }
0x39: {  	[tilespmem:s4], [sflag:$0x1] =	stream.indirect.gather @!p0 [hbm4b:s3+s0], $0x80, s1, s0, $0xb8;
	[tilespmem:$0x16400] =	vst v63  }
0x3a: {  	_ =	swait.ge [sflag:s20], $0x4000  }
0x3b: {  	[sflag:s20] =	ssyncset.done $0x0  }
.Ltmp2:
0x3c: {  	[sflag:s20] =	ssyncadd.s32 $0xFFFFC000;
	(pc) =	sbr.rel @p0 .LBB2_4-.Ltmp2, $4  }
0x3d: {  	[hbm4b:s26+s2] =	stream.linear.scatter [tilespmem:s17], [sflag:$0x8], $0x4000, $0x38;
	[tilespmem:$0x16400] =	vst v63  }
0x3e: {  	_ =	swait.ge [sflag:s21], $0x4000  }
0x3f: {  	[sflag:s21] =	ssyncset.done $0x0  }
0x40: {  	[sflag:s21] =	ssyncadd.s32 $0xFFFFC000  }
.Ltmp3:
0x41: {  	(pc) =	sbr.rel .LBB2_2-.Ltmp3, $4  }
0x42: {  	_ = 	snop  }
0x43: {  	s0 =	sadd.s32 $0x280, s31;
	s30 =	sadd.s32 $0x800, s30;
	s29 =	sadd.s32 $0x2000, s29  }
0x44: {  	s28 =	sadd.s32 $0x2000, s28;
	s26 =	sadd.s32 $0x2000, s26;
	s25 =	sadd.s32 $0x2000, s25  }
0x45: {  	[tilespmem:s13], [sflag:$0x2] =	stream.indirect.gather [hbm4b:s3+s11], $0x80, s0, s11, $0xb8;
	[tilespmem:$0x16400] =	vst v63  }
.LBB2_5:
0x46: {  	_ =	sfence.sel $0x180000  }
0x47: {  	[bflag:$0x0] =	sbarrier.arrive $0xFFFF  }
0x48: {  	_ =	strace $0x90000047  }
0x49: {  	s0 =	stileid.u32;
	[bflag:$0x2] =	sbarrier.arrive $0xFFFF  }
0x4a: {  	p0 =	sne.s32 s0, $0x0;
	s0 =	rddreg [dreg:$0x2]  }
0x4b: {  	s0 =	sadd.s32 @!p0 $0x100000, s0  }
0x4c: {  	[sflag:s0] =	ssyncadd.tile.s32 @!p0 $0x1;
	_ =	shalt  }
.Lfunc_end2:
_tile_overlayer_lowered:
.L_overlay_start_2:
0x4d: {  	(tag) =	ssettag $0x2  }
0x4e: {  	s0 =	rddreg [dreg:$0x0];
	s2 =	stileid.u32  }
0x4f: {  	s1 =	rddreg [dreg:$0x1];
	p0 =	sne.s32 s2, $0x0  }
0x50: {  	s3 =	rddreg [dreg:$0x2];
	[bflag:$0x3] =	sbarrier.arrive $0xFFFF;
	s2 =	simm.s32 @!p0 $0x1C09  }
0x51: {  	[timem:s3], [sflag:s2] =	dma.local @!p0 [hbm:s0], s1  }
0x52: {  	s0 =	simm.s32 @!p0 $0x9  }
0x53: {  	_ =	swait.ge @!p0 [sflag:s0], s1  }
0x54: {  	s1 =	ssub.s32 @!p0 $0x0, s1;
	[sflag:s0] =	ssyncset.done @!p0 $0x0  }
0x55: {  	[sflag:s0] =	ssyncadd.s32 @!p0 s1  }
0x56: {  	[bflag:$0x3] =	sbarrier.arrive $0xFFFF  }
0x57: {  	_ =	shalt  }

// kernel: sparse-core-data-format-call.cloned.1.call-start
scs
called_computation_lowered:
.L_overlay_start_0:
0x0: {  	s2 =	sld [smem:$0x3FD9]  }
0x1: {  	s3 =	sld [smem:$0x3FFE];
	_ =	sdelay $0x1  }
0x2: {  	s1 =	srdreg.scid  }
0x3: {  	s0 =	sand.u32 $0x1, s1  }
0x4: {  	s15 =	sshll.u32 s0, $0xA;
	s2 =	sadd.s32 s3, s2  }
0x5: {  	s2 =	sadd.s32 s2, s15  }
0x6: {  	[smem:$0x3FC4] =	sst s2  }
0x7: {  	_ = 	snop  }
0x8: {  	s2 =	sld [smem:$0x3FD0];
	_ =	sdelay $0x2  }
0x9: {  	s16 =	simm.s32 $0xA;
	s4 =	simm.s32 $0x10  }
0xa: {  	[smem:s4], [sflag:s16] =	dma.local [hbm:s2], $0x1  }
0xb: {  	_ =	swait.eq [sflag:s16], $0x1  }
0xc: {  	[sflag:s16] =	ssyncset.done $0x0  }
0xd: {  	[sflag:s16] =	ssyncadd.s32 $0xFFFFFFFF  }
0xe: {  	s17 =	sld [smem:$0x10];
	(tm) =	ssettm $0x1  }
0xf: {  	s18 =	sld [smem:$0x3FFB];
	_ =	sdelay $0x3  }
0x10: {  	_ =	strace s18  }
0x11: {  	s3 =	sld [smem:$0x3FFC];
	_ =	sdelay $0x3  }
0x12: {  	_ =	strace s3  }
0x13: {  	s3 =	sld [smem:$0x3FFD];
	_ =	sdelay $0x3  }
0x14: {  	_ =	strace s3  }
0x15: {  	_ =	strace $0x8FFFFFFF  }
0x16: {  	s19 =	sld [smem:$0x3FDB];
	_ =	sdelay $0x1  }
0x17: {  	s20 =	simm.s32 $_scs_section_size  }
0x18: {  	s5 =	simm.s32 $_size__tile_overlayer_lowered;
	s6 =	simm.s32 $_tile_overlayer_lowered  }
0x19: {  	s23 =	simm.s32 $0x1BFF;
	s22 =	sshll.u32 s6, $0x1;
	s3 =	sadd.s32 s20, s19  }
0x1a: {  	s7 =	simm.s32 $0x0;
	s21 =	sshll.u32 s5, $0x1;
	s5 =	sadd.s32 s22, s3  }
0x1b: {  	[timem:s7], [sflag:s23] =	dma.local [hbm:s5], s21  }
0x1c: {  	_ =	swait.ge [sflag:s23], s21  }
0x1d: {  	s4 =	ssub.s32 $0x0, s21;
	[sflag:s23] =	ssyncset.done $0x0  }
0x1e: {  	[sflag:s23] =	ssyncadd.s32 s4;
	_ =	sdelay $0x1  }
0x1f: {  	s24 =	simm.s32 $0x1B8B  }
0x20: {  	_ =	swait.ge [sflag:s24], $0x1  }
0x21: {  	[sflag:s24] =	ssyncset.done $0x0  }
0x22: {  	s26 =	simm.s32 $0x1B8E;
	s25 =	sld [smem:$0x3FFE];
	[sflag:s24] =	ssyncadd.s32 $0xFFFFFFFF  }
0x23: {  	s27 =	simm.s32 $execute0_lowered;
	[smem:$0x3FD2] =	sst s26  }
0x24: {  	s5 =	sshll.u32 s27, $0x1;
	_ =	strace $0x80000049;
	[dreg:$0x1] =	wrdreg $0xFFFFFFFF  }
0x25: {  	s28 =	simm.s32 $_size_execute0_lowered;
	s3 =	sadd.s32 s3, s5;
	[dreg:$0x0] =	wrdreg $0x0  }
0x26: {  	s5 =	sshll.u32 s28, $0x1;
	[dreg:$0x2] =	wrdreg s3  }
0x27: {  	[dreg:$0x3] =	wrdreg s5  }
0x28: {  	[dreg:$0x4] =	wrdreg $0xC0  }
0x29: {  	_ =	task [dreg:s7], $0x5FFFF  }
0x2a: {  	[dreg:$0x1] =	wrdreg $0xFFFFFFFF  }
0x2b: {  	[dreg:$0x0] =	wrdreg $0x60  }
0x2c: {  	[dreg:$0x2] =	wrdreg s25  }
0x2d: {  	[dreg:$0x3] =	wrdreg s17  }
0x2e: {  	[dreg:$0x4] =	wrdreg $0x9  }
0x2f: {  	_ =	task.clear_ibuf [dreg:s7], $0x5FFFF;
	_ =	strace $0x90000049  }
0x30: {  	s29 =	simm.s32 $0x9;
	_ =	strace $0x8000004B  }
0x31: {  	_ =	swait.ge [sflag:s29], $0x1  }
0x32: {  	[sflag:s29] =	ssyncadd.s32 $0xFFFFFFFF  }
0x33: {  	_ =	strace $0x9000004B  }
0x34: {  	_ =	sfence  }
0x35: {  	s30 =	sld [smem:$0x0];
	_ =	sdelay $0x2  }
0x36: {  	s31 =	sshll.u32 s1, $0xD;
	s1 =	sshrl.u32 s1, $0x2  }
0x37: {  	s3 =	sand.u32 $0x4000, s31;
	s1 =	sadd.s32 s1, s30  }
0x38: {  	s0 =	sor.u32 s3, s0;
	s1 =	sshll.u32 s1, $0x11  }
0x39: {  	s0 =	sor.u32 s1, s0  }
0x3a: {  	s0 =	sadd.s32 $0x8F2B, s0  }
0x3b: {  	[sflag:s0] =	ssyncadd.remote.s32 $0x1  }
0x3c: {  	_ =	sfence.sel $0xFFFF  }
0x3d: {  	[dreg:$0x0] =	wrdreg $0xFFFFFFFF;
	(pc) =	sbr.abs _section_cstart, $3  }
0x3e: {  	[dreg:$0x1] =	wrdreg $0xFFFFFFFF  }
0x3f: {  	_ =	task.clear_ibuf [dreg:s7], $0x2FFFF;
	_ =	strace $0x9FFFFFFF  }
0x40: {  	(tm) =	ssettm $0x7FFFFFFF  }
0x41: {  	_ =	shalt  }
tec
execute0_lowered:
.L_overlay_start_1:
0x0: {  	(tag) =	ssettag $0x1  }
0x1: {  	s0 =	srdreg.scid  }
0x2: {  	s1 =	sshll.u32 s0, $0x4  }
0x3: {  	s0 =	stileid.u32;
	s1 =	sand.u32 $0x10, s1  }
0x4: {  	s1 =	sor.u32 s0, s1  }
0x5: {  	s6 =	rddreg [dreg:$0x0];
	s4 =	simm.s32 $0x1;
	s2 =	sshll.u32 s1, $0x7  }
0x6: {  	s7 =	simm.s32 $0x2;
	s12 =	simm.s32 $0x0;
	s1 =	ssub.s32 $0x1000, s2  }
0x7: {  	s8 =	simm.s32 $0x8000;
	s13 =	simm.s32 $0x0;
	s3 =	sand.u32 $0xF80, s1  }
0x8: {  	s9 =	simm.s32 $0x0;
	s5 =	sshrl.u32 s1, $0xC;
	p0 =	sne.s32 s3, $0x0  }
.Ltmp0:
0x9: {  	s1 =	rddreg [dreg:$0x2];
	s4 =	simm.s32 @!p0 $0x0;
	(pc) =	sbr.rel .LBB1_1-.Ltmp0, $4  }
0xa: {  	s11 =	simm.s32 $0x0;
	s3 =	rddreg [dreg:$0x1];
	s5 =	sadd.s32 s4, s5  }
0xb: {  	_ =	strace $0x8000004A;
	s4 =	simm.s32 $0x1;
	s5 =	smul.u32 $0xC8, s5  }
0xc: {  	s6 =	sadd.s32 $0xE00, s6;
	s10 =	smov.u32 s2;
	[sflag:s4] =	ssyncpa.u1 $0x0  }
0xd: {  	p0 =	por $0x0, $0x0;
	[sflag:s7] =	ssyncpa.u1 $0x0;
	s7 =	sor.u32 $0x1, s5  }
.LBB1_4:
0xe: {  	s16 =	sshll.u32 s13, $0x3;
	s17 =	sand.u32 $0x78, s13  }
0xf: {  	s30 =	sand.u32 $0x7E00, s13;
	s12 =	sshll.u32 s12, $0xF;
	s16 =	sand.u32 $0xC00, s16  }
0x10: {  	[tilespmem:s15+$0x810 ss:$0x81] =	vst.msk $0xffff, v2;
	s31 =	sand.u32 $0x7, s13;
	s16 =	sor.u32 s17, s16;
	s17 =	sadd.s32 s3, s30  }
0x11: {  	[tilespmem:s15+$0x1020 ss:$0x81] =	vst.msk $0xffff, v0;
	s13 =	sshll.u32 s31, $0x12;
	s12 =	sadd.s32 s12, s17;
	s16 =	sshrl.u32 s16, $0x3  }
0x12: {  	[tilespmem:s15+$0x0 ss:$0x81] =	vst.msk $0xffff, v1;
	s13 =	sor.u32 $0x400, s13;
	s12 =	sadd.s32 s16, s12  }
0x13: {  	[hbm4b:s12+s13] =	stream.strided.scatter [tilespmem:s14], [sflag:$0x2], $0x2000, s8, s13, $0x20;
	[tilespmem:$0x8080] =	vst v63  }
.LBB1_5:
0x14: {  	s14 =	sadd.s32 $0x1, s9  }
0x15: {  	s12 =	sadd.s32 $0x1000, s10;
	s16 =	smov.u32 s10;
	p2 =	sgt.s32 s14, $0xC7  }
0x16: {  	s16 =	smov.u32 @p2 s12  }
0x17: {  	s14 =	simm.s32 @p2 $0x0;
	p2 =	sgt.s32 s16, $0xFFF  }
0x18: {  	s16 =	smov.u32 @p2 s2;
	p2 =	sne.s32 s11, s7  }
.Ltmp1:
0x19: {  	p1 =	slt.u32 s11, $0x2;
	(pc) =	sbr.rel @!p2 .LBB1_6-.Ltmp1, $4  }
0x1a: {  	s15 =	simm.s32 @!p1 $0x2  }
0x1b: {  	s13 =	smov.u32 s10;
	p0 =	por !p0, !p0;
	_ =	swait.ge @!p1 [sflag:s15], $0x2000  }
0x1c: {  	s12 =	smov.u32 s9;
	[sflag:s15] =	ssyncset.done @!p1 $0x0;
	s9 =	smov.u32 s14  }
0x1d: {  	s11 =	sadd.s32 $0x1, s11;
	[sflag:s15] =	ssyncadd.s32 @!p1 $0xFFFFE000;
	s10 =	smov.u32 s16  }
.LBB1_1:
0x1e: {  	p1 =	sge.u32 s11, s5  }
0x1f: {  	s14 =	sand.u32 @!p1 $0x1FFFFFF, s9  }
0x20: {  	s15 =	smulhi.u32 @!p1 $0x147AE15, s14;
	_ =	sdelay $0x1  }
0x21: {  	s15 =	smul.u32 @!p1 $0xC8, s15  }
0x22: {  	s16 =	sxor.u32 @!p1 $0xFFFFFFFF, s11;
	s17 =	smul.u32 @!p1 $0xC80, s10  }
0x23: {  	s31 =	sadd.s32 $0xFFFFFFFF, s11;
	s16 =	sshll.u32 @!p1 s16, $0xD;
	s14 =	ssub.s32 @!p1 s14, s15  }
0x24: {  	s15 =	sand.u32 @!p1 $0x2000, s16;
	s16 =	sadd.s32 @!p1 s6, s17;
	s14 =	sshll.u32 @!p1 s14, $0x4  }
0x25: {  	s17 =	simm.s32 @!p1 $0x6400;
	s14 =	sadd.s32 @!p1 s14, s16;
	s16 =	simm.s32 @!p1 $0x40  }
0x26: {  	[tilespmem:s15], [sflag:$0x1] =	stream.strided.gather @!p1 [hbm4b:s14+s16], $0x2000, s17, s16, $0x38;
	[tilespmem:$0x8080] =	vst v63  }
0x27: {  	p1 =	sge.u32 s31, s5  }
.Ltmp2:
0x28: {  	_ = 	snop;
	(pc) =	sbr.rel @p1 .LBB1_5-.Ltmp2, $1  }
0x29: {  	_ =	sdelay $0x3  }
0x2a: {  	s14 =	simm.s32 $0x1  }
0x2b: {  	_ =	swait.ge [sflag:s4], $0x2000;
	s14 =	simm.s32 @!p0 $0x0  }
0x2c: {  	[sflag:s4] =	ssyncset.done $0x0;
	s15 =	sshll.u32 s14, $0xD  }
0x2d: {  	[sflag:s4] =	ssyncadd.s32 $0xFFFFE000;
	s18 =	sor.u32 $0x20, s15  }
0x2e: {  	s14 =	smul.u32 $0x8100, s14;
	v3 =	vld [tilespmem:s18+$0x10]  }
0x2f: {  	s30 =	sand.u32 $0x1, s11;
	v2 =	vld [tilespmem:s18+$0xFFFFFFF0]  }
0x30: {  	s15 =	smul.u32 $0x8100, s30;
	s14 =	sshrl.u32 s14, $0x2;
	v0 =	vld [tilespmem:s18+$0x0]  }
0x31: {  	v1 =	vld [tilespmem:s18+$0xFFFFFFE0];
	s16 =	sor.u32 $0x4000, s14  }
0x32: {  	s31 =	sshrl.u32 s15, $0x2;
	s15 =	sadd.s32 $0x0, s16  }
0x33: {  	s17 =	simm.s32 $0x4;
	s18 =	sadd.s32 $0x40, s18;
	s14 =	sor.u32 $0x4000, s31;
	[tilespmem:s15+$0x1830 ss:$0x81] =	vst.msk $0xffff, v3  }
.LBB1_3:
0x34: {  	v3 =	vld [tilespmem:s18+$0x10];
	p1 =	sne.s32 s17, $0x1FC;
	[tilespmem:s15+$0x810 ss:$0x81] =	vst.msk $0xffff, v2;
	s19 =	smov.u32 s17;
	s17 =	sadd.s32 $0x4, s17  }
.Ltmp3:
0x35: {  	v2 =	vld [tilespmem:s18+$0xFFFFFFF0];
	[tilespmem:s15+$0x1020 ss:$0x81] =	vst.msk $0xffff, v0;
	(pc) =	sbr.rel @p1 .LBB1_3-.Ltmp3, $4  }
0x36: {  	v0 =	vld [tilespmem:s18+$0x0];
	[tilespmem:s15+$0x0 ss:$0x81] =	vst.msk $0xffff, v1  }
0x37: {  	s15 =	sshra.s32 s19, $0x2;
	v1 =	vld [tilespmem:s18+$0xFFFFFFE0]  }
0x38: {  	s15 =	sadd.s32 s15, s16  }
0x39: {  	s18 =	sadd.s32 $0x40, s18;
	[tilespmem:s15+$0x1830 ss:$0x81] =	vst.msk $0xffff, v3  }
.Ltmp4:
0x3a: {  	_ = 	snop;
	(pc) =	sbr.rel .LBB1_4-.Ltmp4, $1  }
0x3b: {  	_ =	sdelay $0x3  }
.LBB1_6:
0x3c: {  	_ =	sfence.sel $0x180000  }
0x3d: {  	s2 =	simm.s32 $0x1;
	[bflag:$0x0] =	sbarrier.arrive $0xFFFF  }
0x3e: {  	s31 =	simm.s32 $0x2;
	[sflag:s2] =	ssyncpa.u1 $0x1  }
0x3f: {  	[sflag:s31] =	ssyncpa.u1 $0x1  }
0x40: {  	p0 =	sne.s32 s0, $0x0;
	_ =	strace $0x9000004A  }
0x41: {  	s0 =	sadd.s32 @!p0 $0x100000, s1;
	[bflag:$0x2] =	sbarrier.arrive $0xFFFF  }
0x42: {  	[sflag:s0] =	ssyncadd.tile.s32 @!p0 $0x1;
	_ =	shalt  }
.Lfunc_end1:
_tile_overlayer_lowered:
.L_overlay_start_2:
0x43: {  	(tag) =	ssettag $0x2  }
0x44: {  	s0 =	rddreg [dreg:$0x0];
	s2 =	stileid.u32  }
0x45: {  	s1 =	rddreg [dreg:$0x1];
	p0 =	sne.s32 s2, $0x0  }
0x46: {  	s3 =	rddreg [dreg:$0x2];
	[bflag:$0x3] =	sbarrier.arrive $0xFFFF;
	s2 =	simm.s32 @!p0 $0x1C01  }
0x47: {  	[timem:s3], [sflag:s2] =	dma.local @!p0 [hbm:s0], s1  }
0x48: {  	s0 =	simm.s32 @!p0 $0x1  }
0x49: {  	_ =	swait.ge @!p0 [sflag:s0], s1  }
0x4a: {  	s1 =	ssub.s32 @!p0 $0x0, s1;
	[sflag:s0] =	ssyncset.done @!p0 $0x0  }
0x4b: {  	[sflag:s0] =	ssyncadd.s32 @!p0 s1  }
0x4c: {  	[bflag:$0x3] =	sbarrier.arrive $0xFFFF  }
0x4d: {  	_ =	shalt  }

</sc_bundles>
